<compile_context>
chip_gen: v7x
topology: tpu7x:2x2x1
jax: 0.10.2.dev20260603
libtpu: 0.0.44.dev20260713+nightly
codegen_flags: <defaults>
</compile_context>

<pallas_src>
import functools

import jax
import jax.numpy as jnp
from jax import lax
from jax.experimental import pallas as pl
from jax.experimental.pallas import tpu as pltpu
from jax.experimental.pallas import tpu_sc as plsc

B = 16384
N_FIELDS = 26
VOCAB = 100000
EMB = 32
NUM = 13
H1 = 256
H2 = 128
NUM_PAD = 64

N_ROWS = B * N_FIELDS
NW = 32

VSTRIDE = VOCAB

G_PER_W = N_ROWS // NW
GCHUNK = 1664
NGCHUNK = G_PER_W // GCHUNK

NCB = 7
J_ROWS = (B // 8) * NCB * 32

_mesh = plsc.VectorSubcoreMesh(core_axis_name="c", subcore_axis_name="s")


@functools.partial(
    pl.kernel,
    mesh=_mesh,
    compiler_params=pltpu.CompilerParams(use_tc_tiling_on_sc=False),
    out_type=jax.ShapeDtypeStruct((J_ROWS, EMB), jnp.float32),
    scratch_types=[
        pltpu.VMEM((GCHUNK,), jnp.int32),
        pltpu.VMEM((GCHUNK,), jnp.int32),
        pltpu.VMEM((GCHUNK, EMB), jnp.float32),
        pltpu.SemaphoreType.DMA,
        pltpu.SemaphoreType.DMA,
    ],
)
def _sc_gather(idx_hbm, table_hbm, out_hbm, idx_v, jidx_v, rows_v, sem, sem2):
    wid = lax.axis_index("s") * 2 + lax.axis_index("c")
    base = wid * G_PER_W
    lane = lax.iota(jnp.int32, 16)

    def body(c, carry):
        off = base + c * GCHUNK
        pltpu.sync_copy(idx_hbm.at[pl.ds(off, GCHUNK)], idx_v)
        pltpu.async_copy(table_hbm.at[idx_v], rows_v, sem).wait()

        def jbody(g, carry2):
            r = off + g * 16 + lane
            b = lax.div(r, N_FIELDS)
            f = r - b * N_FIELDS
            j = ((lax.shift_right_logical(b, 3) * NCB
                  + lax.shift_right_logical(f, 2)) * 32
                 + (b & 7) * 4 + (f & 3))
            jidx_v[pl.ds(g * 16, 16)] = j
            return carry2

        lax.fori_loop(0, GCHUNK // 16, jbody, 0)
        pltpu.async_copy(rows_v, out_hbm.at[jidx_v], sem2).wait()
        return carry

    lax.fori_loop(0, NGCHUNK, body, 0)


BM = 2048


def _mlp_body(emb_ref, num_ref, w1e_ref, w1n_ref, b1_ref, w2_ref, b2_ref, out_ref):
    h = jnp.dot(num_ref[...], w1n_ref[...], preferred_element_type=jnp.float32)
    for cb in range(NCB):
        x = emb_ref[:, cb, :, :].reshape(BM, 128)
        if cb == NCB - 1:
            col = lax.broadcasted_iota(jnp.int32, (BM, 128), 1)
            x = jnp.where(col < 64, x, 0.0)
        h = h + jnp.dot(x, w1e_ref[cb], preferred_element_type=jnp.float32)
    h = jnp.maximum(h + b1_ref[...], 0.0)
    o = jnp.dot(h, w2_ref[...], preferred_element_type=jnp.float32) + b2_ref[...]
    out_ref[...] = jnp.maximum(o, 0.0)


_mlp = pl.pallas_call(
    _mlp_body,
    grid=(B // BM,),
    in_specs=[
        pl.BlockSpec((BM // 8, NCB, 8, 128), lambda i: (i, 0, 0, 0)),
        pl.BlockSpec((BM, NUM_PAD), lambda i: (i, 0)),
        pl.BlockSpec((NCB, 128, H1), lambda i: (0, 0, 0)),
        pl.BlockSpec((NUM_PAD, H1), lambda i: (0, 0)),
        pl.BlockSpec((1, H1), lambda i: (0, 0)),
        pl.BlockSpec((H1, H2), lambda i: (0, 0)),
        pl.BlockSpec((1, H2), lambda i: (0, 0)),
    ],
    out_specs=pl.BlockSpec((BM, H2), lambda i: (i, 0)),
    out_shape=jax.ShapeDtypeStruct((B, H2), jnp.float32),
)


def kernel(x_categorical, x_numerical, tables, bn_gamma, bn_beta, bn_mean, bn_var,
           W1, b1, W2, b2):
    flat2d = tables.reshape(N_FIELDS * VSTRIDE, EMB)

    x_cat = x_categorical.astype(jnp.int32)
    flat_idx = (x_cat + (jnp.arange(N_FIELDS, dtype=jnp.int32) * VSTRIDE)[None, :]
                ).reshape(-1)
    embt = _sc_gather(flat_idx, flat2d)
    emb4 = embt.reshape(B // 8, NCB, 8, 128)

    scale = bn_gamma * lax.rsqrt(bn_var + 1e-5)
    shift = bn_beta - bn_mean * scale
    W1e_T = jnp.zeros((NCB * 128, H1), jnp.float32).at[:832].set(W1[:, :832].T)
    W1e_T = W1e_T.reshape(NCB, 128, H1)
    W1n = W1[:, 832:]
    W1n_T = (W1n * scale[None, :]).T
    W1n_T_pad = jnp.zeros((NUM_PAD, H1), jnp.float32).at[:NUM].set(W1n_T)
    b1_eff = (b1 + W1n @ shift).reshape(1, H1)
    x_num_pad = jnp.zeros((B, NUM_PAD), jnp.float32).at[:, :NUM].set(x_numerical)

    return _mlp(emb4, x_num_pad, W1e_T, W1n_T_pad, b1_eff, W2.T, b2.reshape(1, H2))

# --- scband reference (transcript-rebuilt; emitter-appended) ---
"""Pipeline reference for scband-hydrogenium-old-5351529251368 (READ-ONLY COPY).

The authoritative reference and input builder live on the scoring server;
editing this copy changes nothing except your own understanding.
"""

import jax, jax.numpy as jnp
import numpy as np

N_FIELDS = 26
VOCAB = 100000
EMB = 32
NUM = 13
B = 16384
H1 = 256
H2 = 128
IN_DIM = N_FIELDS * EMB + NUM


def setup_inputs(seed: int = 0) -> dict:
    key = jax.random.key(seed)
    ks = jax.random.split(key, 8)
    x_categorical = jax.random.randint(ks[0], (B, N_FIELDS), 0, VOCAB)
    x_numerical = jax.random.normal(ks[1], (B, NUM), dtype=jnp.float32)
    tables = jax.random.normal(ks[2], (N_FIELDS, VOCAB, EMB), dtype=jnp.float32) * 0.01
    bn_gamma = jnp.ones((NUM,), dtype=jnp.float32)
    bn_beta = jnp.zeros((NUM,), dtype=jnp.float32)
    bn_mean = jnp.zeros((NUM,), dtype=jnp.float32)
    bn_var = jnp.ones((NUM,), dtype=jnp.float32)
    W1 = jax.random.normal(ks[3], (H1, IN_DIM), dtype=jnp.float32) * (1.0 / np.sqrt(IN_DIM))
    b1 = jnp.zeros((H1,), dtype=jnp.float32)
    W2 = jax.random.normal(ks[4], (H2, H1), dtype=jnp.float32) * (1.0 / np.sqrt(H1))
    b2 = jnp.zeros((H2,), dtype=jnp.float32)
    return {
        "x_categorical": x_categorical,
        "x_numerical": x_numerical,
        "tables": tables,
        "bn_gamma": bn_gamma,
        "bn_beta": bn_beta,
        "bn_mean": bn_mean,
        "bn_var": bn_var,
        "W1": W1,
        "b1": b1,
        "W2": W2,
        "b2": b2,
    }


def reference(x_categorical, x_numerical, tables, bn_gamma, bn_beta, bn_mean, bn_var, W1, b1, W2, b2):
    # Embedding lookup per field: tables[i][x_categorical[:, i]] for all 26 fields, then concat
    field_ids = jnp.arange(tables.shape[0])  # [26]
    emb = tables[field_ids, x_categorical]  # [B, 26, EMB] via broadcast gather
    x_embedding = emb.reshape(emb.shape[0], -1)  # [B, 26*EMB]
    # embedding_dropout with p=0.0 is identity
    # BatchNorm1d in eval mode with running stats (mean=0, var=1 init)
    x_num = (x_numerical - bn_mean) / jnp.sqrt(bn_var + 1e-5) * bn_gamma + bn_beta
    x = jnp.concatenate([x_embedding, x_num], axis=1)
    h = jax.nn.relu(x @ W1.T + b1)
    out = jax.nn.relu(h @ W2.T + b2)
    return out

if __name__ == "__main__":
    import jax
    _d = setup_inputs()
    print(jax.jit(kernel)(*tuple(_d.values())))

</pallas_src>

<mosaic_0001>
#map = affine_map<(d0, d1) -> (0)>
#map1 = affine_map<(d0, d1) -> (0, 0)>
module attributes {stable_mosaic.version = 14 : i64} {
  func.func @_sc_gather(%arg0: i32, %arg1: i32, %arg2: memref<425984xi32, #tpu.memory_space<hbm>>, %arg3: memref<2600000x32xf32, #tpu.memory_space<hbm>>, %arg4: memref<458752x32xf32, #tpu.memory_space<hbm>>, %arg5: memref<1664xi32, #tpu.memory_space<vmem>>, %arg6: memref<1664xi32, #tpu.memory_space<vmem>>, %arg7: memref<1664x32xf32, #tpu.memory_space<vmem>>, %arg8: memref<!tpu.dma_semaphore, #tpu.memory_space<semaphore_mem>>, %arg9: memref<!tpu.dma_semaphore, #tpu.memory_space<semaphore_mem>>) attributes {dimension_semantics = [#tpu.dimension_semantics<core_parallel>, #tpu.dimension_semantics<subcore_parallel>], iteration_bounds = array<i64: 2, 16>, scalar_prefetch = 0 : i64, scratch_operands = 5 : i64, tpu.core_type = #tpu.core_type<sc_vector_subcore>, window_params = [{transform_indices = #map}, {transform_indices = #map1}, {transform_indices = #map1}]} {
    %mul3A = arith.constant 2 : i32
    %mul3A_0 = arith.muli %arg1, %mul3A : i32
    %add3A = arith.addi %mul3A_0, %arg0 : i32
    %mul3A_1 = arith.constant 13312 : i32
    %mul3A_2 = arith.muli %add3A, %mul3A_1 : i32
    %iota3A = tpu.iota {dimensions = array<i32: 0>} : vector<16xi32>
    %scan3A = arith.constant 0 : i32
    %scan3A_3 = arith.constant 0 : i32
    %scan3A_4 = arith.constant 8 : i32
    %scan3A_5 = arith.addi %scan3A_3, %scan3A_4 : i32
    %scan3A_6 = arith.constant 1 : i32
    scf.for %scan3A_8 = %scan3A_3 to %scan3A_5 step %scan3A_6  : i32 {
      %mul3A_9 = arith.constant 1664 : i32
      %mul3A_10 = arith.muli %scan3A_8, %mul3A_9 : i32
      %add3A_11 = arith.addi %mul3A_2, %mul3A_10 : i32
      "tpu.region"() ({
        %run_scoped3A = tpu.sem_alloc : memref<!tpu.dma_semaphore, #tpu.memory_space<semaphore_mem>>
        %dma_start3A_28 = tpu.memref_slice %arg2[%add3A_11] : memref<425984xi32, #tpu.memory_space<hbm>> -> memref<1664xi32, #tpu.memory_space<hbm>>
        %dma_start3A_29 = tpu.memref_slice %arg2[%add3A_11] : memref<425984xi32, #tpu.memory_space<hbm>> -> memref<1664xi32, #tpu.memory_space<hbm>>
        tpu.enqueue_dma source(%dma_start3A_29 : memref<1664xi32, #tpu.memory_space<hbm>>) target(%arg5 : memref<1664xi32, #tpu.memory_space<vmem>>) target_semaphore(%run_scoped3A : memref<!tpu.dma_semaphore, #tpu.memory_space<semaphore_mem>>)
        %dma_wait3A_30 = tpu.memref_slice %arg2[%add3A_11] : memref<425984xi32, #tpu.memory_space<hbm>> -> memref<1664xi32, #tpu.memory_space<hbm>>
        %dma_wait3A_31 = tpu.memref_slice %arg2[%add3A_11] : memref<425984xi32, #tpu.memory_space<hbm>> -> memref<1664xi32, #tpu.memory_space<hbm>>
        tpu.wait_dma2 semaphore(%run_scoped3A : memref<!tpu.dma_semaphore, #tpu.memory_space<semaphore_mem>>) src(%dma_wait3A_31 : memref<1664xi32, #tpu.memory_space<hbm>>) dst(%arg5 : memref<1664xi32, #tpu.memory_space<vmem>>)
        tpu.yield
      }) : () -> ()
      %dma_start3A = arith.constant 0 : i32
      %dma_start3A_12 = arith.constant 0 : i32
      %dma_start3A_13 = tpu.memref_slice %arg3[%dma_start3A, %dma_start3A_12] : memref<2600000x32xf32, #tpu.memory_space<hbm>> -> memref<2600000x32xf32, #tpu.memory_space<hbm>>
      tpu.enqueue_indirect_dma source(%dma_start3A_13 : memref<2600000x32xf32, #tpu.memory_space<hbm>>) target(%arg7 : memref<1664x32xf32, #tpu.memory_space<vmem>>) offsets(%arg5 : memref<1664xi32, #tpu.memory_space<vmem>>) semaphore(%arg8 : memref<!tpu.dma_semaphore, #tpu.memory_space<semaphore_mem>>)
      %dma_wait3A = arith.constant 0 : i32
      %dma_wait3A_14 = arith.constant 0 : i32
      %dma_wait3A_15 = tpu.memref_slice %arg3[%dma_wait3A, %dma_wait3A_14] : memref<2600000x32xf32, #tpu.memory_space<hbm>> -> memref<2600000x32xf32, #tpu.memory_space<hbm>>
      tpu.wait_indirect_dma semaphore(%arg8 : memref<!tpu.dma_semaphore, #tpu.memory_space<semaphore_mem>>) src(%dma_wait3A_15 : memref<2600000x32xf32, #tpu.memory_space<hbm>>) dst(%arg7 : memref<1664x32xf32, #tpu.memory_space<vmem>>)
      %scan3A_16 = arith.constant 0 : i32
      %scan3A_17 = arith.constant 0 : i32
      %scan3A_18 = arith.constant 104 : i32
      %scan3A_19 = arith.addi %scan3A_17, %scan3A_18 : i32
      %scan3A_20 = arith.constant 1 : i32
      scf.for %scan3A_28 = %scan3A_17 to %scan3A_19 step %scan3A_20  : i32 {
        %mul3A_29 = arith.constant 16 : i32
        %mul3A_30 = arith.muli %scan3A_28, %mul3A_29 : i32
        %add3A_31 = arith.addi %add3A_11, %mul3A_30 : i32
        %add3A_32 = vector.broadcast %add3A_31 : i32 to vector<16xi32>
        %add3A_33 = arith.addi %add3A_32, %iota3A : vector<16xi32>
        %div3A = arith.constant 26 : i32
        %div3A_34 = vector.broadcast %div3A : i32 to vector<16xi32>
        %div3A_35 = arith.divsi %add3A_33, %div3A_34 : vector<16xi32>
        %mul3A_36 = arith.constant 26 : i32
        %mul3A_37 = vector.broadcast %mul3A_36 : i32 to vector<16xi32>
        %mul3A_38 = arith.muli %div3A_35, %mul3A_37 : vector<16xi32>
        %sub3A = arith.subi %add3A_33, %mul3A_38 : vector<16xi32>
        %shift_right_logical3A = arith.constant 3 : i32
        %shift_right_logical3A_39 = vector.broadcast %shift_right_logical3A : i32 to vector<16xi32>
        %shift_right_logical3A_40 = arith.shrui %div3A_35, %shift_right_logical3A_39 : vector<16xi32>
        %mul3A_41 = arith.constant 7 : i32
        %mul3A_42 = vector.broadcast %mul3A_41 : i32 to vector<16xi32>
        %mul3A_43 = arith.muli %shift_right_logical3A_40, %mul3A_42 : vector<16xi32>
        %shift_right_logical3A_44 = arith.constant 2 : i32
        %shift_right_logical3A_45 = vector.broadcast %shift_right_logical3A_44 : i32 to vector<16xi32>
        %shift_right_logical3A_46 = arith.shrui %sub3A, %shift_right_logical3A_45 : vector<16xi32>
        %add3A_47 = arith.addi %mul3A_43, %shift_right_logical3A_46 : vector<16xi32>
        %mul3A_48 = arith.constant 32 : i32
        %mul3A_49 = vector.broadcast %mul3A_48 : i32 to vector<16xi32>
        %mul3A_50 = arith.muli %add3A_47, %mul3A_49 : vector<16xi32>
        %and3A = arith.constant 7 : i32
        %and3A_51 = vector.broadcast %and3A : i32 to vector<16xi32>
        %and3A_52 = arith.andi %div3A_35, %and3A_51 : vector<16xi32>
        %mul3A_53 = arith.constant 4 : i32
        %mul3A_54 = vector.broadcast %mul3A_53 : i32 to vector<16xi32>
        %mul3A_55 = arith.muli %and3A_52, %mul3A_54 : vector<16xi32>
        %add3A_56 = arith.addi %mul3A_50, %mul3A_55 : vector<16xi32>
        %and3A_57 = arith.constant 3 : i32
        %and3A_58 = vector.broadcast %and3A_57 : i32 to vector<16xi32>
        %and3A_59 = arith.andi %sub3A, %and3A_58 : vector<16xi32>
        %add3A_60 = arith.addi %add3A_56, %and3A_59 : vector<16xi32>
        %mul3A_61 = arith.constant 16 : i32
        %mul3A_62 = arith.muli %scan3A_28, %mul3A_61 : i32
        %swap3A = arith.index_cast %mul3A_62 : i32 to index
        %swap3A_63 = tpu.vector_load %arg6[%swap3A] {strides = array<i32>} : memref<1664xi32, #tpu.memory_space<vmem>>, vector<16xi32>,
        %swap3A_64 = vector.shape_cast %swap3A_63 : vector<16xi32> to vector<16xi32>
        %swap3A_65 = vector.shape_cast %add3A_60 : vector<16xi32> to vector<16xi32>
        tpu.vector_store %arg6[%swap3A], %swap3A_65 {strides = array<i32>} : memref<1664xi32, #tpu.memory_space<vmem>>, vector<16xi32>,
      }
      %scan3A_21 = arith.constant 104 : i32
      %dma_start3A_22 = arith.constant 0 : i32
      %dma_start3A_23 = arith.constant 0 : i32
      %dma_start3A_24 = tpu.memref_slice %arg4[%dma_start3A_22, %dma_start3A_23] : memref<458752x32xf32, #tpu.memory_space<hbm>> -> memref<458752x32xf32, #tpu.memory_space<hbm>>
      tpu.enqueue_indirect_dma source(%arg7 : memref<1664x32xf32, #tpu.memory_space<vmem>>) target(%dma_start3A_24 : memref<458752x32xf32, #tpu.memory_space<hbm>>) offsets(%arg6 : memref<1664xi32, #tpu.memory_space<vmem>>) semaphore(%arg9 : memref<!tpu.dma_semaphore, #tpu.memory_space<semaphore_mem>>)
      %dma_wait3A_25 = arith.constant 0 : i32
      %dma_wait3A_26 = arith.constant 0 : i32
      %dma_wait3A_27 = tpu.memref_slice %arg4[%dma_wait3A_25, %dma_wait3A_26] : memref<458752x32xf32, #tpu.memory_space<hbm>> -> memref<458752x32xf32, #tpu.memory_space<hbm>>
      tpu.wait_indirect_dma semaphore(%arg9 : memref<!tpu.dma_semaphore, #tpu.memory_space<semaphore_mem>>) src(%arg7 : memref<1664x32xf32, #tpu.memory_space<vmem>>) dst(%dma_wait3A_27 : memref<458752x32xf32, #tpu.memory_space<hbm>>)
    }
    %scan3A_7 = arith.constant 8 : i32
    return
  }
}

module attributes {stable_mosaic.version = 14 : i64} {
  func.func @_mlp_body(%arg0: i32, %arg1: memref<256x7x8x128xf32, #tpu.memory_space<vmem>>, %arg2: memref<2048x64xf32, #tpu.memory_space<vmem>>, %arg3: memref<7x128x256xf32, #tpu.memory_space<vmem>>, %arg4: memref<64x256xf32, #tpu.memory_space<vmem>>, %arg5: memref<1x256xf32, #tpu.memory_space<vmem>>, %arg6: memref<256x128xf32, #tpu.memory_space<vmem>>, %arg7: memref<1x128xf32, #tpu.memory_space<vmem>>, %arg8: memref<2048x128xf32, #tpu.memory_space<vmem>>) attributes {dimension_semantics = [#tpu.dimension_semantics<arbitrary>], iteration_bounds = array<i64: 8>, scalar_prefetch = 0 : i64, scratch_operands = 0 : i64, tpu.core_type = #tpu.core_type<tc>, window_params = [{transform_indices = @transform_0, window_bounds = array<i64: 256, 7, 8, 128>}, {transform_indices = @transform_1, window_bounds = array<i64: 2048, 64>}, {pipeline_mode = #tpu.pipeline_mode<synchronous>, transform_indices = @transform_2, window_bounds = array<i64: 7, 128, 256>}, {pipeline_mode = #tpu.pipeline_mode<synchronous>, transform_indices = @transform_3, window_bounds = array<i64: 64, 256>}, {pipeline_mode = #tpu.pipeline_mode<synchronous>, transform_indices = @transform_4, window_bounds = array<i64: 1, 256>}, {pipeline_mode = #tpu.pipeline_mode<synchronous>, transform_indices = @transform_5, window_bounds = array<i64: 256, 128>}, {pipeline_mode = #tpu.pipeline_mode<synchronous>, transform_indices = @transform_6, window_bounds = array<i64: 1, 128>}, {transform_indices = @transform_7, window_bounds = array<i64: 2048, 128>}]} {
    %get3A = arith.constant 0 : index
    %get3A_0 = arith.constant 0 : index
    %get3A_1 = vector.load %arg2[%get3A, %get3A_0] : memref<2048x64xf32, #tpu.memory_space<vmem>>, vector<2048x64xf32>
    %get3A_2 = arith.constant 0 : index
    %get3A_3 = arith.constant 0 : index
    %get3A_4 = vector.load %arg4[%get3A_2, %get3A_3] : memref<64x256xf32, #tpu.memory_space<vmem>>, vector<64x256xf32>
    %dot_general3A = arith.constant dense<0.000000e+00> : vector<2048x256xf32>
    %dot_general3A_5 = tpu.matmul %get3A_1, %get3A_4, %dot_general3A {dimension_numbers = #tpu.dot_dimension_numbers<[1], [0], [0], [1], [0, 0, 1, 1], [], []>, transpose_lhs_hint = false} : vector<2048x64xf32>, vector<64x256xf32>, vector<2048x256xf32> -> vector<2048x256xf32>
    %get3A_6 = arith.constant 0 : index
    %get3A_7 = arith.constant 0 : index
    %get3A_8 = arith.constant 0 : index
    %get3A_9 = arith.constant 0 : index
    %get3A_10 = vector.load %arg1[%get3A_6, %get3A_7, %get3A_8, %get3A_9] : memref<256x7x8x128xf32, #tpu.memory_space<vmem>>, vector<256x1x8x128xf32>
    %get3A_11 = vector.shape_cast %get3A_10 : vector<256x1x8x128xf32> to vector<256x8x128xf32>
    %reshape3A = vector.shape_cast %get3A_11 : vector<256x8x128xf32> to vector<2048x128xf32>
    %get3A_12 = arith.constant 0 : index
    %get3A_13 = arith.constant 0 : index
    %get3A_14 = arith.constant 0 : index
    %get3A_15 = vector.load %arg3[%get3A_12, %get3A_13, %get3A_14] : memref<7x128x256xf32, #tpu.memory_space<vmem>>, vector<1x128x256xf32>
    %get3A_16 = vector.shape_cast %get3A_15 : vector<1x128x256xf32> to vector<128x256xf32>
    %dot_general3A_17 = arith.constant dense<0.000000e+00> : vector<2048x256xf32>
    %dot_general3A_18 = tpu.matmul %reshape3A, %get3A_16, %dot_general3A_17 {dimension_numbers = #tpu.dot_dimension_numbers<[1], [0], [0], [1], [0, 0, 1, 1], [], []>, transpose_lhs_hint = false} : vector<2048x128xf32>, vector<128x256xf32>, vector<2048x256xf32> -> vector<2048x256xf32>
    %add3A = arith.addf %dot_general3A_5, %dot_general3A_18 : vector<2048x256xf32>
    %get3A_19 = arith.constant 0 : index
    %get3A_20 = arith.constant 1 : index
    %get3A_21 = arith.constant 0 : index
    %get3A_22 = arith.constant 0 : index
    %get3A_23 = vector.load %arg1[%get3A_19, %get3A_20, %get3A_21, %get3A_22] : memref<256x7x8x128xf32, #tpu.memory_space<vmem>>, vector<256x1x8x128xf32>
    %get3A_24 = vector.shape_cast %get3A_23 : vector<256x1x8x128xf32> to vector<256x8x128xf32>
    %reshape3A_25 = vector.shape_cast %get3A_24 : vector<256x8x128xf32> to vector<2048x128xf32>
    %get3A_26 = arith.constant 1 : index
    %get3A_27 = arith.constant 0 : index
    %get3A_28 = arith.constant 0 : index
    %get3A_29 = vector.load %arg3[%get3A_26, %get3A_27, %get3A_28] : memref<7x128x256xf32, #tpu.memory_space<vmem>>, vector<1x128x256xf32>
    %get3A_30 = vector.shape_cast %get3A_29 : vector<1x128x256xf32> to vector<128x256xf32>
    %dot_general3A_31 = arith.constant dense<0.000000e+00> : vector<2048x256xf32>
    %dot_general3A_32 = tpu.matmul %reshape3A_25, %get3A_30, %dot_general3A_31 {dimension_numbers = #tpu.dot_dimension_numbers<[1], [0], [0], [1], [0, 0, 1, 1], [], []>, transpose_lhs_hint = false} : vector<2048x128xf32>, vector<128x256xf32>, vector<2048x256xf32> -> vector<2048x256xf32>
    %add3A_33 = arith.addf %add3A, %dot_general3A_32 : vector<2048x256xf32>
    %get3A_34 = arith.constant 0 : index
    %get3A_35 = arith.constant 2 : index
    %get3A_36 = arith.constant 0 : index
    %get3A_37 = arith.constant 0 : index
    %get3A_38 = vector.load %arg1[%get3A_34, %get3A_35, %get3A_36, %get3A_37] : memref<256x7x8x128xf32, #tpu.memory_space<vmem>>, vector<256x1x8x128xf32>
    %get3A_39 = vector.shape_cast %get3A_38 : vector<256x1x8x128xf32> to vector<256x8x128xf32>
    %reshape3A_40 = vector.shape_cast %get3A_39 : vector<256x8x128xf32> to vector<2048x128xf32>
    %get3A_41 = arith.constant 2 : index
    %get3A_42 = arith.constant 0 : index
    %get3A_43 = arith.constant 0 : index
    %get3A_44 = vector.load %arg3[%get3A_41, %get3A_42, %get3A_43] : memref<7x128x256xf32, #tpu.memory_space<vmem>>, vector<1x128x256xf32>
    %get3A_45 = vector.shape_cast %get3A_44 : vector<1x128x256xf32> to vector<128x256xf32>
    %dot_general3A_46 = arith.constant dense<0.000000e+00> : vector<2048x256xf32>
    %dot_general3A_47 = tpu.matmul %reshape3A_40, %get3A_45, %dot_general3A_46 {dimension_numbers = #tpu.dot_dimension_numbers<[1], [0], [0], [1], [0, 0, 1, 1], [], []>, transpose_lhs_hint = false} : vector<2048x128xf32>, vector<128x256xf32>, vector<2048x256xf32> -> vector<2048x256xf32>
    %add3A_48 = arith.addf %add3A_33, %dot_general3A_47 : vector<2048x256xf32>
    %get3A_49 = arith.constant 0 : index
    %get3A_50 = arith.constant 3 : index
    %get3A_51 = arith.constant 0 : index
    %get3A_52 = arith.constant 0 : index
    %get3A_53 = vector.load %arg1[%get3A_49, %get3A_50, %get3A_51, %get3A_52] : memref<256x7x8x128xf32, #tpu.memory_space<vmem>>, vector<256x1x8x128xf32>
    %get3A_54 = vector.shape_cast %get3A_53 : vector<256x1x8x128xf32> to vector<256x8x128xf32>
    %reshape3A_55 = vector.shape_cast %get3A_54 : vector<256x8x128xf32> to vector<2048x128xf32>
    %get3A_56 = arith.constant 3 : index
    %get3A_57 = arith.constant 0 : index
    %get3A_58 = arith.constant 0 : index
    %get3A_59 = vector.load %arg3[%get3A_56, %get3A_57, %get3A_58] : memref<7x128x256xf32, #tpu.memory_space<vmem>>, vector<1x128x256xf32>
    %get3A_60 = vector.shape_cast %get3A_59 : vector<1x128x256xf32> to vector<128x256xf32>
    %dot_general3A_61 = arith.constant dense<0.000000e+00> : vector<2048x256xf32>
    %dot_general3A_62 = tpu.matmul %reshape3A_55, %get3A_60, %dot_general3A_61 {dimension_numbers = #tpu.dot_dimension_numbers<[1], [0], [0], [1], [0, 0, 1, 1], [], []>, transpose_lhs_hint = false} : vector<2048x128xf32>, vector<128x256xf32>, vector<2048x256xf32> -> vector<2048x256xf32>
    %add3A_63 = arith.addf %add3A_48, %dot_general3A_62 : vector<2048x256xf32>
    %get3A_64 = arith.constant 0 : index
    %get3A_65 = arith.constant 4 : index
    %get3A_66 = arith.constant 0 : index
    %get3A_67 = arith.constant 0 : index
    %get3A_68 = vector.load %arg1[%get3A_64, %get3A_65, %get3A_66, %get3A_67] : memref<256x7x8x128xf32, #tpu.memory_space<vmem>>, vector<256x1x8x128xf32>
    %get3A_69 = vector.shape_cast %get3A_68 : vector<256x1x8x128xf32> to vector<256x8x128xf32>
    %reshape3A_70 = vector.shape_cast %get3A_69 : vector<256x8x128xf32> to vector<2048x128xf32>
    %get3A_71 = arith.constant 4 : index
    %get3A_72 = arith.constant 0 : index
    %get3A_73 = arith.constant 0 : index
    %get3A_74 = vector.load %arg3[%get3A_71, %get3A_72, %get3A_73] : memref<7x128x256xf32, #tpu.memory_space<vmem>>, vector<1x128x256xf32>
    %get3A_75 = vector.shape_cast %get3A_74 : vector<1x128x256xf32> to vector<128x256xf32>
    %dot_general3A_76 = arith.constant dense<0.000000e+00> : vector<2048x256xf32>
    %dot_general3A_77 = tpu.matmul %reshape3A_70, %get3A_75, %dot_general3A_76 {dimension_numbers = #tpu.dot_dimension_numbers<[1], [0], [0], [1], [0, 0, 1, 1], [], []>, transpose_lhs_hint = false} : vector<2048x128xf32>, vector<128x256xf32>, vector<2048x256xf32> -> vector<2048x256xf32>
    %add3A_78 = arith.addf %add3A_63, %dot_general3A_77 : vector<2048x256xf32>
    %get3A_79 = arith.constant 0 : index
    %get3A_80 = arith.constant 5 : index
    %get3A_81 = arith.constant 0 : index
    %get3A_82 = arith.constant 0 : index
    %get3A_83 = vector.load %arg1[%get3A_79, %get3A_80, %get3A_81, %get3A_82] : memref<256x7x8x128xf32, #tpu.memory_space<vmem>>, vector<256x1x8x128xf32>
    %get3A_84 = vector.shape_cast %get3A_83 : vector<256x1x8x128xf32> to vector<256x8x128xf32>
    %reshape3A_85 = vector.shape_cast %get3A_84 : vector<256x8x128xf32> to vector<2048x128xf32>
    %get3A_86 = arith.constant 5 : index
    %get3A_87 = arith.constant 0 : index
    %get3A_88 = arith.constant 0 : index
    %get3A_89 = vector.load %arg3[%get3A_86, %get3A_87, %get3A_88] : memref<7x128x256xf32, #tpu.memory_space<vmem>>, vector<1x128x256xf32>
    %get3A_90 = vector.shape_cast %get3A_89 : vector<1x128x256xf32> to vector<128x256xf32>
    %dot_general3A_91 = arith.constant dense<0.000000e+00> : vector<2048x256xf32>
    %dot_general3A_92 = tpu.matmul %reshape3A_85, %get3A_90, %dot_general3A_91 {dimension_numbers = #tpu.dot_dimension_numbers<[1], [0], [0], [1], [0, 0, 1, 1], [], []>, transpose_lhs_hint = false} : vector<2048x128xf32>, vector<128x256xf32>, vector<2048x256xf32> -> vector<2048x256xf32>
    %add3A_93 = arith.addf %add3A_78, %dot_general3A_92 : vector<2048x256xf32>
    %get3A_94 = arith.constant 0 : index
    %get3A_95 = arith.constant 6 : index
    %get3A_96 = arith.constant 0 : index
    %get3A_97 = arith.constant 0 : index
    %get3A_98 = vector.load %arg1[%get3A_94, %get3A_95, %get3A_96, %get3A_97] : memref<256x7x8x128xf32, #tpu.memory_space<vmem>>, vector<256x1x8x128xf32>
    %get3A_99 = vector.shape_cast %get3A_98 : vector<256x1x8x128xf32> to vector<256x8x128xf32>
    %reshape3A_100 = vector.shape_cast %get3A_99 : vector<256x8x128xf32> to vector<2048x128xf32>
    %iota3A = tpu.iota {dimensions = array<i32: 1>} : vector<2048x128xi32>
    %lt3A = arith.constant 64 : i32
    %lt3A_101 = vector.broadcast %lt3A : i32 to vector<2048x128xi32>
    %lt3A_102 = arith.cmpi slt, %iota3A, %lt3A_101 : vector<2048x128xi32>
    %jit3A = arith.constant 0.000000e+00 : f32
    %broadcast_in_dim3A = vector.broadcast %jit3A : f32 to vector<2048x128xf32>
    %select_n3A = arith.select %lt3A_102, %reshape3A_100, %broadcast_in_dim3A : vector<2048x128xi1>, vector<2048x128xf32>
    %get3A_103 = arith.constant 6 : index
    %get3A_104 = arith.constant 0 : index
    %get3A_105 = arith.constant 0 : index
    %get3A_106 = vector.load %arg3[%get3A_103, %get3A_104, %get3A_105] : memref<7x128x256xf32, #tpu.memory_space<vmem>>, vector<1x128x256xf32>
    %get3A_107 = vector.shape_cast %get3A_106 : vector<1x128x256xf32> to vector<128x256xf32>
    %dot_general3A_108 = arith.constant dense<0.000000e+00> : vector<2048x256xf32>
    %dot_general3A_109 = tpu.matmul %select_n3A, %get3A_107, %dot_general3A_108 {dimension_numbers = #tpu.dot_dimension_numbers<[1], [0], [0], [1], [0, 0, 1, 1], [], []>, transpose_lhs_hint = false} : vector<2048x128xf32>, vector<128x256xf32>, vector<2048x256xf32> -> vector<2048x256xf32>
    %add3A_110 = arith.addf %add3A_93, %dot_general3A_109 : vector<2048x256xf32>
    %get3A_111 = arith.constant 0 : index
    %get3A_112 = arith.constant 0 : index
    %get3A_113 = vector.load %arg5[%get3A_111, %get3A_112] : memref<1x256xf32, #tpu.memory_space<vmem>>, vector<1x256xf32>
    %add3A_114 = vector.broadcast %get3A_113 : vector<1x256xf32> to vector<2048x256xf32>
    %add3A_115 = arith.addf %add3A_110, %add3A_114 : vector<2048x256xf32>
    %max3A = arith.constant 0.000000e+00 : f32
    %max3A_116 = vector.broadcast %max3A : f32 to vector<2048x256xf32>
    %max3A_117 = arith.maximumf %add3A_115, %max3A_116 : vector<2048x256xf32>
    %get3A_118 = arith.constant 0 : index
    %get3A_119 = arith.constant 0 : index
    %get3A_120 = vector.load %arg6[%get3A_118, %get3A_119] : memref<256x128xf32, #tpu.memory_space<vmem>>, vector<256x128xf32>
    %dot_general3A_121 = arith.constant dense<0.000000e+00> : vector<2048x128xf32>
    %dot_general3A_122 = tpu.matmul %max3A_117, %get3A_120, %dot_general3A_121 {dimension_numbers = #tpu.dot_dimension_numbers<[1], [0], [0], [1], [0, 0, 1, 1], [], []>, transpose_lhs_hint = false} : vector<2048x256xf32>, vector<256x128xf32>, vector<2048x128xf32> -> vector<2048x128xf32>
    %get3A_123 = arith.constant 0 : index
    %get3A_124 = arith.constant 0 : index
    %get3A_125 = vector.load %arg7[%get3A_123, %get3A_124] : memref<1x128xf32, #tpu.memory_space<vmem>>, vector<1x128xf32>
    %add3A_126 = vector.broadcast %get3A_125 : vector<1x128xf32> to vector<2048x128xf32>
    %add3A_127 = arith.addf %dot_general3A_122, %add3A_126 : vector<2048x128xf32>
    %max3A_128 = arith.constant 0.000000e+00 : f32
    %max3A_129 = vector.broadcast %max3A_128 : f32 to vector<2048x128xf32>
    %max3A_130 = arith.maximumf %add3A_127, %max3A_129 : vector<2048x128xf32>
    %swap3A = arith.constant 0 : index
    %swap3A_131 = arith.constant 0 : index
    %swap3A_132 = vector.load %arg8[%swap3A, %swap3A_131] : memref<2048x128xf32, #tpu.memory_space<vmem>>, vector<2048x128xf32>
    tpu.vector_store %arg8[%swap3A, %swap3A_131], %max3A_130 {strides = array<i32>} : memref<2048x128xf32, #tpu.memory_space<vmem>>, vector<2048x128xf32>,
    return
  }
  func.func @transform_0(%arg0: i32) -> (i32, i32, i32, i32) {
    %c0_i32 = arith.constant 0 : i32
    %c0_i32_0 = arith.constant 0 : i32
    %c0_i32_1 = arith.constant 0 : i32
    %c0_i32_2 = arith.constant 0 : i32
    return %arg0, %c0_i32, %c0_i32_0, %c0_i32_1 : i32, i32, i32, i32
  }
  func.func @transform_1(%arg0: i32) -> (i32, i32) {
    %c0_i32 = arith.constant 0 : i32
    %c0_i32_0 = arith.constant 0 : i32
    return %arg0, %c0_i32 : i32, i32
  }
  func.func @transform_2(%arg0: i32) -> (i32, i32, i32) {
    %c0_i32 = arith.constant 0 : i32
    %c0_i32_0 = arith.constant 0 : i32
    %c0_i32_1 = arith.constant 0 : i32
    %c0_i32_2 = arith.constant 0 : i32
    return %c0_i32, %c0_i32_0, %c0_i32_1 : i32, i32, i32
  }
  func.func @transform_3(%arg0: i32) -> (i32, i32) {
    %c0_i32 = arith.constant 0 : i32
    %c0_i32_0 = arith.constant 0 : i32
    %c0_i32_1 = arith.constant 0 : i32
    return %c0_i32, %c0_i32_0 : i32, i32
  }
  func.func @transform_4(%arg0: i32) -> (i32, i32) {
    %c0_i32 = arith.constant 0 : i32
    %c0_i32_0 = arith.constant 0 : i32
    %c0_i32_1 = arith.constant 0 : i32
    return %c0_i32, %c0_i32_0 : i32, i32
  }
  func.func @transform_5(%arg0: i32) -> (i32, i32) {
    %c0_i32 = arith.constant 0 : i32
    %c0_i32_0 = arith.constant 0 : i32
    %c0_i32_1 = arith.constant 0 : i32
    return %c0_i32, %c0_i32_0 : i32, i32
  }
  func.func @transform_6(%arg0: i32) -> (i32, i32) {
    %c0_i32 = arith.constant 0 : i32
    %c0_i32_0 = arith.constant 0 : i32
    %c0_i32_1 = arith.constant 0 : i32
    return %c0_i32, %c0_i32_0 : i32, i32
  }
  func.func @transform_7(%arg0: i32) -> (i32, i32) {
    %c0_i32 = arith.constant 0 : i32
    %c0_i32_0 = arith.constant 0 : i32
    return %arg0, %c0_i32 : i32, i32
  }
}

</mosaic_0001>

<sc_bundles>
// kernel: kernel.4.cloned.1.call-start
scs
__scs_entry_jumppad:
0x0: {  	(pc) =	sbr.rel $0x88, $3  }
0x1: {  	(tag) =	ssettag $0x0;
	lr =	simm.s32 $0x1  }
0x2: {  	[smem:$0x3F96] =	sst lr;
	_ =	strace $0xD0000000  }
0x3: {  	_ = 	snop  }
0x4: {  	_ = 	snop  }
0x5: {  	_ = 	snop  }
0x6: {  	_ = 	snop  }
0x7: {  	_ = 	snop  }
__scs_overlays_trampoline_lowered:
0x8: {  	[smem:$0x3FA5] =	sst s0  }
0x9: {  	[smem:$0x3FA6] =	sst s1  }
0xa: {  	[smem:$0x3FA7] =	sst s2  }
0xb: {  	[smem:$0x3FA8] =	sst s3  }
0xc: {  	[smem:$0x3FA9] =	sst s4  }
0xd: {  	[smem:$0x3FAA] =	sst s5  }
0xe: {  	[smem:$0x3FAB] =	sst s6  }
0xf: {  	[smem:$0x3FAC] =	sst s7  }
0x10: {  	[smem:$0x3FAD] =	sst s8  }
0x11: {  	[smem:$0x3FAE] =	sst s9;
	s0 =	simm.s32 @!p0 $0x0  }
0x12: {  	s1 =	sld [smem:$0x3F94];
	s0 =	simm.s32 @p0 $0x1  }
0x13: {  	[smem:$0x3FAF] =	sst s0;
	s0 =	simm.s32 @!p1 $0x0  }
0x14: {  	s2 =	sld [smem:$0x3F93];
	s0 =	simm.s32 @p1 $0x1  }
0x15: {  	[smem:$0x3FB0] =	sst s0;
	s0 =	simm.s32 @!p2 $0x0  }
0x16: {  	s3 =	sld [smem:$0x3FDB];
	s0 =	simm.s32 @p2 $0x1  }
0x17: {  	s4 =	simm.s32 $0x1BF5;
	[smem:$0x3FB2] =	sst s0  }
0x18: {  	s0 =	sld [smem:$0x3F95];
	_ =	swait.ge [sflag:s4], $0x0  }
0x19: {  	s7 =	sld [smem:$0x3F96]  }
0x1a: {  	s8 =	sadd.s32 $0xFFFFE003, lr  }
0x1b: {  	s9 =	sadd.s32 $0xFFFFFEF7, lr;
	s5 =	simm.s32 $0xFFFFFFFF;
	p2 =	slt.u32 s8, $0xFFFFF086  }
0x1c: {  	p1 =	slt.u32 s9, $0xF7A;
	s5 =	simm.s32 @!p2 $0x0  }
0x1d: {  	s5 =	simm.s32 @p1 $0x1;
	p0 =	seq.s32 s7, s2  }
0x1e: {  	s7 =	smul.u32 @!p0 $0xF7A, s2;
	p2 =	seq.s32 @!p0 s5, $0x0  }
0x1f: {  	s9 =	smul.u32 $0xF7A, s1;
	s8 =	simm.s32 @!p0 $0x1BF5;
	p2 =	por !p2, p0  }
0x20: {  	[sflag:s8] =	ssyncset.s32 @!p0 $0xFFFFF086;
	s6 =	sadd.s32 @!p0 s3, s7;
	s7 =	simm.s32 @!p0 $0x108  }
0x21: {  	s3 =	sadd.s32 s3, s9;
	s6 =	sadd.s32 @!p0 $0x88, s6;
	s7 =	simm.s32 @p2 $0x1082  }
0x22: {  	[simem:s7], [sflag:s8] =	dma.local @!p0 [hbm:s6], $0xF7A  }
0x23: {  	s9 =	sor.u32 $0xD0000000, s2;
	s6 =	simm.s32 $0x108;
	_ =	swait.ge @!p0 [sflag:s8], $0x0  }
0x24: {  	s3 =	sadd.s32 $0x88, s3;
	s6 =	simm.s32 @!p1 $0x1082;
	[sflag:s4] =	ssyncset.s32 $0xFFFFF086  }
0x25: {  	[simem:s6], [sflag:s4] =	dma.local [hbm:s3], $0xF7A  }
0x26: {  	[smem:$0x3F96] =	sst s1;
	(tag) =	ssettag s2;
	_ =	strace s9  }
0x27: {  	s1 =	sld [smem:$0x3FA6]  }
0x28: {  	s2 =	sld [smem:$0x3FA7]  }
0x29: {  	s4 =	sld [smem:$0x3FA9]  }
0x2a: {  	p0 =	seq.s32 s5, $0x0;
	s5 =	sld [smem:$0x3FAA]  }
0x2b: {  	s6 =	sld [smem:$0x3FAB]  }
0x2c: {  	s7 =	sld [smem:$0x3FAC]  }
0x2d: {  	s3 =	simm.s32 $0x108;
	s8 =	sld [smem:$0x3FAD]  }
0x2e: {  	s3 =	simm.s32 @!p0 $0x1082;
	s9 =	sld [smem:$0x3FAE]  }
0x2f: {  	lr =	sadd.s32 s0, s3;
	s0 =	sld [smem:$0x3FA5]  }
0x30: {  	s3 =	sld [smem:$0x3FA8]  }
0x31: {  	[smem:$0x3FB1] =	sst s10  }
0x32: {  	s10 =	sld [smem:$0x3FAF];
	_ =	sdelay $0x3  }
0x33: {  	p0 =	seq.s32 s10, $0x1;
	s10 =	sld [smem:$0x3FB1];
	_ =	sdelay $0x3  }
0x34: {  	[smem:$0x3FB1] =	sst s10  }
0x35: {  	s10 =	sld [smem:$0x3FB0];
	_ =	sdelay $0x3  }
0x36: {  	p1 =	seq.s32 s10, $0x1;
	s10 =	sld [smem:$0x3FB1];
	_ =	sdelay $0x3  }
0x37: {  	[smem:$0x3FB1] =	sst s10  }
0x38: {  	s10 =	sld [smem:$0x3FB2]  }
0x39: {  	_ = 	snop;
	(pc) =	sbr.ind lr, $3  }
0x3a: {  	_ = 	snop  }
0x3b: {  	_ = 	snop  }
0x3c: {  	p2 =	seq.s32 s10, $0x1;
	s10 =	sld [smem:$0x3FB1]  }
0x3d: {  	_ =	shalt  }
0x3e: {  	_ =	shalt  }
0x3f: {  	_ =	shalt  }
0x40: {  	_ =	shalt  }
0x41: {  	_ =	shalt  }
0x42: {  	_ =	shalt  }
0x43: {  	_ =	shalt  }
0x44: {  	_ =	shalt  }
0x45: {  	_ =	shalt  }
0x46: {  	_ =	shalt  }
0x47: {  	_ =	shalt  }
0x48: {  	_ =	shalt  }
0x49: {  	_ =	shalt  }
0x4a: {  	_ =	shalt  }
0x4b: {  	_ =	shalt  }
0x4c: {  	_ =	shalt  }
0x4d: {  	_ =	shalt  }
0x4e: {  	_ =	shalt  }
0x4f: {  	_ =	shalt  }
0x50: {  	_ =	shalt  }
0x51: {  	_ =	shalt  }
0x52: {  	_ =	shalt  }
0x53: {  	_ =	shalt  }
0x54: {  	_ =	shalt  }
0x55: {  	_ =	shalt  }
0x56: {  	_ =	shalt  }
0x57: {  	_ =	shalt  }
0x58: {  	_ =	shalt  }
0x59: {  	_ =	shalt  }
0x5a: {  	_ =	shalt  }
0x5b: {  	_ =	shalt  }
0x5c: {  	_ =	shalt  }
0x5d: {  	_ =	shalt  }
0x5e: {  	_ =	shalt  }
0x5f: {  	_ =	shalt  }
0x60: {  	_ =	shalt  }
0x61: {  	_ =	shalt  }
0x62: {  	_ =	shalt  }
0x63: {  	_ =	shalt  }
0x64: {  	_ =	shalt  }
0x65: {  	_ =	shalt  }
0x66: {  	_ =	shalt  }
0x67: {  	_ =	shalt  }
0x68: {  	_ =	shalt  }
0x69: {  	_ =	shalt  }
0x6a: {  	_ =	shalt  }
0x6b: {  	_ =	shalt  }
0x6c: {  	_ =	shalt  }
0x6d: {  	_ =	shalt  }
0x6e: {  	_ =	shalt  }
0x6f: {  	_ =	shalt  }
0x70: {  	_ =	shalt  }
0x71: {  	_ =	shalt  }
0x72: {  	_ =	shalt  }
0x73: {  	_ =	shalt  }
0x74: {  	_ =	shalt  }
0x75: {  	_ =	shalt  }
0x76: {  	_ =	shalt  }
0x77: {  	_ =	shalt  }
0x78: {  	_ =	shalt  }
0x79: {  	_ =	shalt  }
0x7a: {  	_ =	shalt  }
0x7b: {  	_ =	shalt  }
0x7c: {  	_ =	shalt  }
0x7d: {  	_ =	shalt  }
0x7e: {  	_ =	shalt  }
0x7f: {  	_ =	shalt  }
0x80: {  	_ =	shalt  }
0x81: {  	_ =	shalt  }
0x82: {  	_ =	shalt  }
0x83: {  	_ =	shalt  }
0x84: {  	_ =	shalt  }
0x85: {  	_ =	shalt  }
0x86: {  	_ =	shalt  }
0x87: {  	_ =	shalt  }
.Lfunc_end0:
.L_simem_size_0:
called_computation_lowered:
.L_overlay_start_0:
0x88: {  	s2 =	sld [smem:$0x3FD9]  }
0x89: {  	s3 =	sld [smem:$0x3FFE];
	_ =	sdelay $0x1  }
0x8a: {  	s1 =	srdreg.scid  }
0x8b: {  	s0 =	sand.u32 $0x1, s1  }
0x8c: {  	s17 =	sshll.u32 s0, $0xA;
	s2 =	sadd.s32 s3, s2  }
0x8d: {  	s2 =	sadd.s32 s2, s17  }
0x8e: {  	[smem:$0x3FBD] =	sst s2  }
0x8f: {  	_ = 	snop  }
0x90: {  	s2 =	sld [smem:$0x3FD0];
	(tm) =	ssettm $0x1  }
0x91: {  	s18 =	sld [smem:$0x3FFB];
	_ =	sdelay $0x3  }
0x92: {  	_ =	strace s18  }
0x93: {  	s3 =	sld [smem:$0x3FFC];
	_ =	sdelay $0x3  }
0x94: {  	_ =	strace s3  }
0x95: {  	s3 =	sld [smem:$0x3FFD];
	_ =	sdelay $0x3  }
0x96: {  	_ =	strace s3  }
0x97: {  	_ =	strace $0x8FFFFFFF  }
0x98: {  	s19 =	sld [smem:$0x3FDB];
	_ =	sdelay $0x1  }
0x99: {  	s4 =	simm.s32 $_scs_section_size  }
0x9a: {  	s5 =	simm.s32 $_size__tile_overlayer_lowered;
	s6 =	simm.s32 $_tile_overlayer_lowered  }
0x9b: {  	s22 =	simm.s32 $0x1BFF;
	s21 =	sshll.u32 s6, $0x1;
	s3 =	sadd.s32 s4, s19  }
0x9c: {  	s7 =	simm.s32 $0x0;
	s20 =	sshll.u32 s5, $0x1;
	s5 =	sadd.s32 s21, s3  }
0x9d: {  	[timem:s7], [sflag:s22] =	dma.local [hbm:s5], s20  }
0x9e: {  	_ =	swait.ge [sflag:s22], s20  }
0x9f: {  	s4 =	ssub.s32 $0x0, s20;
	[sflag:s22] =	ssyncset.done $0x0  }
0xa0: {  	[sflag:s22] =	ssyncadd.s32 s4;
	_ =	sdelay $0x1  }
0xa1: {  	s23 =	simm.s32 $0x1B8B  }
0xa2: {  	_ =	swait.ge [sflag:s23], $0x1  }
0xa3: {  	[sflag:s23] =	ssyncset.done $0x0  }
0xa4: {  	s25 =	simm.s32 $0x1B8E;
	s24 =	sld [smem:$0x3FFE];
	[sflag:s23] =	ssyncadd.s32 $0xFFFFFFFF  }
0xa5: {  	s26 =	simm.s32 $execute0_lowered;
	[smem:$0x3FD2] =	sst s25  }
0xa6: {  	s5 =	sshll.u32 s26, $0x1;
	_ =	strace $0x80000046;
	[dreg:$0x1] =	wrdreg $0xFFFFFFFF  }
0xa7: {  	s28 =	simm.s32 $_size_execute0_lowered;
	s3 =	sadd.s32 s3, s5;
	[dreg:$0x0] =	wrdreg $0x0  }
0xa8: {  	s5 =	sshll.u32 s28, $0x1;
	[dreg:$0x2] =	wrdreg s3  }
0xa9: {  	[dreg:$0x3] =	wrdreg s5  }
0xaa: {  	[dreg:$0x4] =	wrdreg $0xC0  }
0xab: {  	_ =	task [dreg:s7], $0x5FFFF  }
0xac: {  	[dreg:$0x1] =	wrdreg $0xFFFFFFFF  }
0xad: {  	[dreg:$0x0] =	wrdreg $0x60  }
0xae: {  	[dreg:$0x2] =	wrdreg s2  }
0xaf: {  	[dreg:$0x3] =	wrdreg s24  }
0xb0: {  	[dreg:$0x4] =	wrdreg $0x9  }
0xb1: {  	_ =	task.clear_ibuf [dreg:s7], $0x5FFFF;
	_ =	strace $0x90000046  }
0xb2: {  	s29 =	simm.s32 $0x9;
	_ =	strace $0x80000048  }
0xb3: {  	_ =	swait.ge [sflag:s29], $0x1  }
0xb4: {  	[sflag:s29] =	ssyncadd.s32 $0xFFFFFFFF  }
0xb5: {  	_ =	strace $0x90000048  }
0xb6: {  	_ =	sfence  }
0xb7: {  	s30 =	sld [smem:$0x0];
	_ =	sdelay $0x2  }
0xb8: {  	s31 =	sshll.u32 s1, $0xD;
	s1 =	sshrl.u32 s1, $0x2  }
0xb9: {  	s3 =	sand.u32 $0x4000, s31;
	s1 =	sadd.s32 s1, s30  }
0xba: {  	s0 =	sor.u32 s3, s0;
	s1 =	sshll.u32 s1, $0x11  }
0xbb: {  	s0 =	sor.u32 s1, s0  }
0xbc: {  	s0 =	sadd.s32 $0x8F2B, s0  }
0xbd: {  	[sflag:s0] =	ssyncadd.remote.s32 $0x1  }
0xbe: {  	_ =	sfence.sel $0xFFFF  }
0xbf: {  	[dreg:$0x0] =	wrdreg $0xFFFFFFFF;
	(pc) =	sbr.abs _section_cstart, $3  }
0xc0: {  	[dreg:$0x1] =	wrdreg $0xFFFFFFFF  }
0xc1: {  	_ =	task.clear_ibuf [dreg:s7], $0x2FFFF;
	_ =	strace $0x9FFFFFFF  }
0xc2: {  	(tm) =	ssettm $0x7FFFFFFF  }
0xc3: {  	_ =	shalt  }
tec
execute0_lowered:
.L_overlay_start_1:
0x0: {  	(tag) =	ssettag $0x1  }
0x1: {  	s1 =	rddreg [dreg:$0x0]  }
0x2: {  	s5 =	rddreg [dreg:$0x1]  }
0x3: {  	s0 =	rddreg [dreg:$0x2];
	s2 =	simm.s32 $0x0;
	s3 =	srdreg.scid  }
0x4: {  	s11 =	simm.s32 $0xD00;
	s12 =	simm.s32 $0x1;
	s13 =	simm.s32 $0x2  }
0x5: {  	[smem:$0x7FF] =	sst s2;
	s6 =	sand.u32 $0x1, s3;
	s4 =	sadd.s32 $0x27ADA00, s5  }
0x6: {  	s3 =	stileid.u32;
	s5 =	sadd.s32 $0x1600, s5;
	_ =	strace $0x80000047  }
0x7: {  	s7 =	ssub.s32 $0x2, s6;
	s9 =	sshll.u32 s3, $0x1;
	s10 =	smul.u32 $0x6800, s3  }
0x8: {  	s31 =	smul.u32 $0x3400, s6;
	s8 =	sshrl.u32 s7, $0x1;
	s30 =	sor.u32 s6, s9  }
0x9: {  	s9 =	simm.s32 $0x3;
	s7 =	ssub.s32 s7, s8;
	s6 =	smul.u32 $0x3400, s30  }
0xa: {  	v0 =	vlaneseq.u32;
	s8 =	sadd.s32 s31, s10;
	s10 =	simm.s32 $0x680;
	s7 =	smax.u32 s7, $0x1  }
.LBB2_1:
0xb: {  	s14 =	smov.u32 s8;
	s15 =	simm.s32 $0x0  }
.LBB2_2:
0xc: {  	s16 =	smul.u32 $0x680, s15  }
0xd: {  	v1 =	vor.u32 s14, v0  }
0xe: {  	v3 =	vmulhi.u32 $0x4EC4EC4F, v1;
	s16 =	sadd.s32 s6, s16  }
0xf: {  	s16 =	sshrl.u32 s16, $0x3  }
0x10: {  	s17 =	simm.s32 $0x0;
	v2 =	vshrl.u32 v3, $0x3;
	s16 =	sadd.s32 s1, s16  }
0x11: {  	v4 =	vmul.u32 $0xFFFFFFE6, v2;
	[tilespmem:s17], [sflag:$0x3] =	stream.linear.gather [hbm4b:s16+s17], $0x680, $0x38;
	[tilespmem:$0xDD00] =	vst v63  }
0x12: {  	s18 =	sadd.s32 $0x10, s14;
	v2 =	vshrl.u32 v2, $0x3;
	_ =	swait.ge [sflag:s9], $0x680  }
0x13: {  	v5 =	vmul.u32 $0x7, v2;
	v4 =	vadd.s32 v1, v4;
	v1 =	vor.u32 s18, v0;
	[sflag:s9] =	ssyncset.done $0x0  }
0x14: {  	v6 =	vshrl.u32 v4, $0x2;
	v2 =	vmulhi.u32 $0x4EC4EC4F, v1;
	[sflag:s9] =	ssyncadd.s32 $0xFFFFF980  }
0x15: {  	v3 =	vshrl.u32 v3, $0x1;
	v5 =	vadd.s32 v5, v6;
	[tilespmem:s11], [sflag:$0x1] =	stream.indirect.gather [hbm4b:s4+s10], $0x20, s17, s10, $0xb8;
	[tilespmem:$0xDD00] =	vst v63  }
0x16: {  	v3 =	vand.u32 $0x1C, v3;
	v5 =	vshll.u32 v5, $0x5;
	v6 =	vshrl.u32 v2, $0x3;
	_ =	swait.ge [sflag:s12], $0xD000  }
0x17: {  	s19 =	simm.s32 $0x0;
	s16 =	simm.s32 $0x40;
	v7 =	vand.u32 $0x3, v4;
	v3 =	vor.u32 v3, v5;
	v4 =	vmul.u32 $0xFFFFFFE6, v6;
	[sflag:s12] =	ssyncset.done $0x0  }
0x18: {  	s18 =	sadd.s32 $0x10, s18;
	s17 =	simm.s32 $0x80;
	v5 =	vshrl.u32 v6, $0x3;
	v3 =	vor.u32 v7, v3;
	[sflag:s12] =	ssyncadd.s32 $0xFFFF3000  }
.LBB2_3:
0x19: {  	p0 =	sne.s32 s17, $0x19C0;
	v6 =	vadd.s32 v1, v4;
	v1 =	vor.u32 s18, v0;
	v4 =	vmul.u32 $0x7, v5;
	[tilespmem:s19+$0x680] =	vst v3;
	s20 =	smov.u32 s17;
	s17 =	sadd.s32 $0x40, s17  }
.Ltmp0:
0x1a: {  	v3 =	vmulhi.u32 $0x4EC4EC4F, v1;
	v5 =	vshrl.u32 v6, $0x2;
	(pc) =	sbr.rel @p0 .LBB2_3-.Ltmp0, $4  }
0x1b: {  	v9 =	vshrl.u32 v2, $0x1;
	v4 =	vadd.s32 v4, v5  }
0x1c: {  	v8 =	vand.u32 $0x1C, v9;
	v5 =	vshrl.u32 v3, $0x3;
	v7 =	vshll.u32 v4, $0x5;
	v2 =	vmovc v3  }
0x1d: {  	v6 =	vand.u32 $0x3, v6;
	v4 =	vmul.u32 $0xFFFFFFE6, v5;
	v3 =	vor.u32 v8, v7  }
0x1e: {  	s18 =	sadd.s32 $0x10, s18;
	s19 =	sshra.s32 s16, $0x2;
	s16 =	smov.u32 s20;
	v5 =	vshrl.u32 v5, $0x3;
	v3 =	vor.u32 v6, v3  }
0x1f: {  	v1 =	vadd.s32 v1, v4;
	v62 =	vmul.u32 $0x7, v5  }
0x20: {  	v63 =	vshrl.u32 v1, $0x2  }
0x21: {  	v2 =	vshrl.u32 v2, $0x1;
	v4 =	vadd.s32 v62, v63  }
0x22: {  	v2 =	vand.u32 $0x1C, v2;
	v4 =	vshll.u32 v4, $0x5  }
0x23: {  	s15 =	sadd.s32 $0x1, s15;
	v1 =	vand.u32 $0x3, v1;
	v2 =	vor.u32 v2, v4  }
0x24: {  	[tilespmem:s19+$0x680] =	vst v3;
	s16 =	sshra.s32 s16, $0x2;
	p0 =	sne.s32 s15, $0x8;
	v1 =	vor.u32 v1, v2  }
.Ltmp1:
0x25: {  	[tilespmem:s16+$0x680] =	vst v1;
	(pc) =	sbr.rel @p0 .LBB2_2-.Ltmp1, $4  }
0x26: {  	[hbm4b:s5+s10] =	stream.indirect.scatter [tilespmem:s11], [sflag:$0x2], $0x20, s10, s10, $0xb8;
	[tilespmem:$0xDD00] =	vst v63  }
0x27: {  	_ =	swait.ge [sflag:s13], $0xD000  }
0x28: {  	[sflag:s13] =	ssyncset.done $0x0  }
0x29: {  	s14 =	sadd.s32 $0x680, s14;
	[sflag:s13] =	ssyncadd.s32 $0xFFFF3000  }
0x2a: {  	s2 =	sadd.s32 $0x1, s2  }
0x2b: {  	p0 =	sne.s32 s2, s7  }
.Ltmp2:
0x2c: {  	_ = 	snop;
	(pc) =	sbr.rel @p0 .LBB2_1-.Ltmp2, $1  }
0x2d: {  	_ =	sdelay $0x3  }
0x2e: {  	_ =	sfence.sel $0x180000  }
0x2f: {  	[bflag:$0x0] =	sbarrier.arrive $0xFFFF  }
0x30: {  	p0 =	sne.s32 s3, $0x0;
	_ =	strace $0x90000047  }
0x31: {  	s0 =	sadd.s32 @!p0 $0x100000, s0;
	[bflag:$0x2] =	sbarrier.arrive $0xFFFF  }
0x32: {  	[sflag:s0] =	ssyncadd.tile.s32 @!p0 $0x1;
	_ =	shalt  }
.Lfunc_end2:
_tile_overlayer_lowered:
.L_overlay_start_2:
0x33: {  	(tag) =	ssettag $0x2  }
0x34: {  	s0 =	rddreg [dreg:$0x0];
	s2 =	stileid.u32  }
0x35: {  	s1 =	rddreg [dreg:$0x1];
	p0 =	sne.s32 s2, $0x0  }
0x36: {  	s3 =	rddreg [dreg:$0x2];
	[bflag:$0x3] =	sbarrier.arrive $0xFFFF;
	s2 =	simm.s32 @!p0 $0x1C03  }
0x37: {  	[timem:s3], [sflag:s2] =	dma.local @!p0 [hbm:s0], s1  }
0x38: {  	s0 =	simm.s32 @!p0 $0x3  }
0x39: {  	_ =	swait.ge @!p0 [sflag:s0], s1  }
0x3a: {  	s1 =	ssub.s32 @!p0 $0x0, s1;
	[sflag:s0] =	ssyncset.done @!p0 $0x0  }
0x3b: {  	[sflag:s0] =	ssyncadd.s32 @!p0 s1  }
0x3c: {  	[bflag:$0x3] =	sbarrier.arrive $0xFFFF  }
0x3d: {  	_ =	shalt  }

</sc_bundles>
